<compile_context>
chip_gen: v7x
topology: tpu7x:2x2x1
jax: 0.10.2.dev20260603
libtpu: 0.0.44.dev20260713+nightly
codegen_flags: <defaults>
</compile_context>

<pallas_src>
import functools

import jax
import jax.numpy as jnp
from jax import lax
from jax.experimental import pallas as pl
from jax.experimental.pallas import tpu as pltpu
from jax.experimental.pallas import tpu_sc as plsc

N_NEURONS = 2048
D_MODEL = 256
RANK = 16

CHUNK = 8


@functools.lru_cache(maxsize=None)
def _make_gather(n_idx: int):
    info = plsc.get_sparse_core_info()
    nw = info.num_cores * info.num_subcores
    bpw = n_idx // nw
    nch = bpw // CHUNK
    pairs = nch // 2
    mesh = plsc.VectorSubcoreMesh(core_axis_name="c", subcore_axis_name="s")

    @functools.partial(
        pl.kernel,
        mesh=mesh,
        out_type=[jax.ShapeDtypeStruct((n_idx, RANK, D_MODEL), jnp.float32)] * 4,
        scratch_types=[
            pltpu.VMEM((bpw,), jnp.int32),
            pltpu.VMEM((CHUNK, RANK, D_MODEL), jnp.float32),
            pltpu.VMEM((CHUNK, RANK, D_MODEL), jnp.float32),
            pltpu.SemaphoreType.DMA,
            pltpu.SemaphoreType.DMA,
        ],
    )
    def run(idx_hbm, q_hbm, k_hbm, v_hbm, o_hbm,
            oq_hbm, ok_hbm, ov_hbm, oo_hbm,
            idx_v, buf0, buf1, sem0, sem1):
        wid = lax.axis_index("s") * info.num_cores + lax.axis_index("c")
        base = wid * bpw
        pltpu.sync_copy(idx_hbm.at[pl.ds(base, bpw)], idx_v)

        def gather(tbl, dst, sem, c):
            pltpu.async_copy(tbl.at[idx_v.at[pl.ds(c * CHUNK, CHUNK)]], dst, sem)

        def drain(tbl, dst, sem):
            pltpu.make_async_copy(tbl.at[idx_v.at[pl.ds(0, CHUNK)]], dst, sem).wait()

        def put(out, buf, c):
            pltpu.sync_copy(buf, out.at[pl.ds(base + c * CHUNK, CHUNK)])

        for tbl, out in ((q_hbm, oq_hbm), (k_hbm, ok_hbm),
                         (v_hbm, ov_hbm), (o_hbm, oo_hbm)):
            gather(tbl, buf0, sem0, 0)

            def body(i, carry, tbl=tbl, out=out):
                c = 2 * i
                gather(tbl, buf1, sem1, c + 1)
                drain(tbl, buf0, sem0)
                put(out, buf0, c)

                @pl.when(i < pairs - 1)
                def _():
                    gather(tbl, buf0, sem0, c + 2)

                drain(tbl, buf1, sem1)
                put(out, buf1, c + 1)
                return carry

            lax.fori_loop(0, pairs, body, 0)

    return run


def kernel(indices, W_Q, W_K, W_V, W_O):
    b, s, k = indices.shape
    n_idx = b * s * k
    idx = indices.reshape(n_idx).astype(jnp.int32)
    banks = [jnp.swapaxes(w, 1, 2) for w in (W_Q, W_K, W_V)] + [W_O]
    oq, ok, ov, oo = _make_gather(n_idx)(idx, *banks)
    return (
        jnp.swapaxes(oq, 1, 2).reshape(b, s, k, D_MODEL, RANK),
        jnp.swapaxes(ok, 1, 2).reshape(b, s, k, D_MODEL, RANK),
        jnp.swapaxes(ov, 1, 2).reshape(b, s, k, D_MODEL, RANK),
        oo.reshape(b, s, k, RANK, D_MODEL),
    )

# --- scband reference (transcript-rebuilt; emitter-appended) ---
"""Pipeline reference for scband-neuron-bank-300647710818 (READ-ONLY COPY).

The authoritative reference and input builder live on the scoring server;
editing this copy changes nothing except your own understanding.
"""

import jax, jax.numpy as jnp
import numpy as np

N_NEURONS = 2048
D_MODEL = 256
RANK = 16
B, S, K = 1, 2048, 2


def setup_inputs(seed: int = 0) -> dict:
    key = jax.random.key(seed)
    k1, k2, k3, k4, k5 = jax.random.split(key, 5)
    indices = jax.random.randint(k1, (B, S, K), 0, N_NEURONS, dtype=jnp.int64 if jax.config.jax_enable_x64 else jnp.int32)
    # Learned parameter banks (original uses per-neuron orthogonal init; values do not
    # change the gather semantics, so Gaussian init scaled like orthonormal columns).
    scale = 1.0 / jnp.sqrt(jnp.float32(D_MODEL))
    W_Q = jax.random.normal(k2, (N_NEURONS, D_MODEL, RANK), dtype=jnp.float32) * scale
    W_K = jax.random.normal(k3, (N_NEURONS, D_MODEL, RANK), dtype=jnp.float32) * scale
    W_V = jax.random.normal(k4, (N_NEURONS, D_MODEL, RANK), dtype=jnp.float32) * scale
    W_O = jax.random.normal(k5, (N_NEURONS, RANK, D_MODEL), dtype=jnp.float32) * scale
    return {"indices": indices, "W_Q": W_Q, "W_K": W_K, "W_V": W_V, "W_O": W_O}


def reference(indices, W_Q, W_K, W_V, W_O):
    # NeuronBank lookup: gather the full per-neuron projection matrices for the
    # selected neurons. Output shapes: [B, S, k, D, rank] (Q/K/V) and [B, S, k, rank, D] (O).
    wq = jnp.take(W_Q, indices, axis=0)
    wk = jnp.take(W_K, indices, axis=0)
    wv = jnp.take(W_V, indices, axis=0)
    wo = jnp.take(W_O, indices, axis=0)
    return (wq, wk, wv, wo)

if __name__ == "__main__":
    import jax
    _d = setup_inputs()
    print(jax.jit(kernel)(*tuple(_d.values())))

</pallas_src>

<mosaic_0001>
#map = affine_map<(d0, d1) -> (0)>
#map1 = affine_map<(d0, d1) -> (0, 0, 0)>
module attributes {stable_mosaic.version = 14 : i64} {
  func.func @run(%arg0: i32, %arg1: i32, %arg2: memref<4096xi32, #tpu.memory_space<hbm>>, %arg3: memref<2048x16x256xf32, #tpu.memory_space<hbm>>, %arg4: memref<2048x16x256xf32, #tpu.memory_space<hbm>>, %arg5: memref<2048x16x256xf32, #tpu.memory_space<hbm>>, %arg6: memref<2048x16x256xf32, #tpu.memory_space<hbm>>, %arg7: memref<4096x16x256xf32, #tpu.memory_space<hbm>>, %arg8: memref<4096x16x256xf32, #tpu.memory_space<hbm>>, %arg9: memref<4096x16x256xf32, #tpu.memory_space<hbm>>, %arg10: memref<4096x16x256xf32, #tpu.memory_space<hbm>>, %arg11: memref<128xi32, #tpu.memory_space<vmem>>, %arg12: memref<8x16x256xf32, #tpu.memory_space<vmem>>, %arg13: memref<8x16x256xf32, #tpu.memory_space<vmem>>, %arg14: memref<!tpu.dma_semaphore, #tpu.memory_space<semaphore_mem>>, %arg15: memref<!tpu.dma_semaphore, #tpu.memory_space<semaphore_mem>>) attributes {dimension_semantics = [#tpu.dimension_semantics<core_parallel>, #tpu.dimension_semantics<subcore_parallel>], iteration_bounds = array<i64: 2, 16>, scalar_prefetch = 0 : i64, scratch_operands = 5 : i64, tpu.core_type = #tpu.core_type<sc_vector_subcore>, window_params = [{transform_indices = #map}, {transform_indices = #map1}, {transform_indices = #map1}, {transform_indices = #map1}, {transform_indices = #map1}, {transform_indices = #map1}, {transform_indices = #map1}, {transform_indices = #map1}, {transform_indices = #map1}]} {
    %mul3A = arith.constant 2 : i32
    %mul3A_0 = arith.muli %arg1, %mul3A : i32
    %add3A = arith.addi %mul3A_0, %arg0 : i32
    %mul3A_1 = arith.constant 128 : i32
    %mul3A_2 = arith.muli %add3A, %mul3A_1 : i32
    "tpu.region"() ({
      %run_scoped3A = tpu.sem_alloc : memref<!tpu.dma_semaphore, #tpu.memory_space<semaphore_mem>>
      %dma_start3A_49 = tpu.memref_slice %arg2[%mul3A_2] : memref<4096xi32, #tpu.memory_space<hbm>> -> memref<128xi32, #tpu.memory_space<hbm>>
      %dma_start3A_50 = tpu.memref_slice %arg2[%mul3A_2] : memref<4096xi32, #tpu.memory_space<hbm>> -> memref<128xi32, #tpu.memory_space<hbm>>
      tpu.enqueue_dma source(%dma_start3A_50 : memref<128xi32, #tpu.memory_space<hbm>>) target(%arg11 : memref<128xi32, #tpu.memory_space<vmem>>) target_semaphore(%run_scoped3A : memref<!tpu.dma_semaphore, #tpu.memory_space<semaphore_mem>>)
      %dma_wait3A = tpu.memref_slice %arg2[%mul3A_2] : memref<4096xi32, #tpu.memory_space<hbm>> -> memref<128xi32, #tpu.memory_space<hbm>>
      %dma_wait3A_51 = tpu.memref_slice %arg2[%mul3A_2] : memref<4096xi32, #tpu.memory_space<hbm>> -> memref<128xi32, #tpu.memory_space<hbm>>
      tpu.wait_dma2 semaphore(%run_scoped3A : memref<!tpu.dma_semaphore, #tpu.memory_space<semaphore_mem>>) src(%dma_wait3A_51 : memref<128xi32, #tpu.memory_space<hbm>>) dst(%arg11 : memref<128xi32, #tpu.memory_space<vmem>>)
      tpu.yield
    }) : () -> ()
    %dma_start3A = arith.constant 0 : i32
    %dma_start3A_3 = tpu.memref_slice %arg11[%dma_start3A] : memref<128xi32, #tpu.memory_space<vmem>> -> memref<8xi32, #tpu.memory_space<vmem>>
    %dma_start3A_4 = arith.constant 0 : i32
    %dma_start3A_5 = arith.constant 0 : i32
    %dma_start3A_6 = arith.constant 0 : i32
    %dma_start3A_7 = tpu.memref_slice %arg3[%dma_start3A_4, %dma_start3A_5, %dma_start3A_6] : memref<2048x16x256xf32, #tpu.memory_space<hbm>> -> memref<2048x16x256xf32, #tpu.memory_space<hbm>>
    tpu.enqueue_indirect_dma source(%dma_start3A_7 : memref<2048x16x256xf32, #tpu.memory_space<hbm>>) target(%arg12 : memref<8x16x256xf32, #tpu.memory_space<vmem>>) offsets(%dma_start3A_3 : memref<8xi32, #tpu.memory_space<vmem>>) semaphore(%arg14 : memref<!tpu.dma_semaphore, #tpu.memory_space<semaphore_mem>>)
    %scan3A = arith.constant 0 : i32
    %scan3A_8 = arith.constant 0 : i32
    %scan3A_9 = arith.constant 8 : i32
    %scan3A_10 = arith.addi %scan3A_8, %scan3A_9 : i32
    %scan3A_11 = arith.constant 1 : i32
    scf.for %scan3A_49 = %scan3A_8 to %scan3A_10 step %scan3A_11  : i32 {
      %mul3A_50 = arith.constant 2 : i32
      %mul3A_51 = arith.muli %mul3A_50, %scan3A_49 : i32
      %add3A_52 = arith.constant 1 : i32
      %add3A_53 = arith.addi %mul3A_51, %add3A_52 : i32
      %mul3A_54 = arith.constant 8 : i32
      %mul3A_55 = arith.muli %add3A_53, %mul3A_54 : i32
      %dma_start3A_56 = tpu.memref_slice %arg11[%mul3A_55] : memref<128xi32, #tpu.memory_space<vmem>> -> memref<8xi32, #tpu.memory_space<vmem>>
      %dma_start3A_57 = arith.constant 0 : i32
      %dma_start3A_58 = arith.constant 0 : i32
      %dma_start3A_59 = arith.constant 0 : i32
      %dma_start3A_60 = tpu.memref_slice %arg3[%dma_start3A_57, %dma_start3A_58, %dma_start3A_59] : memref<2048x16x256xf32, #tpu.memory_space<hbm>> -> memref<2048x16x256xf32, #tpu.memory_space<hbm>>
      tpu.enqueue_indirect_dma source(%dma_start3A_60 : memref<2048x16x256xf32, #tpu.memory_space<hbm>>) target(%arg13 : memref<8x16x256xf32, #tpu.memory_space<vmem>>) offsets(%dma_start3A_56 : memref<8xi32, #tpu.memory_space<vmem>>) semaphore(%arg15 : memref<!tpu.dma_semaphore, #tpu.memory_space<semaphore_mem>>)
      %dma_wait3A = arith.constant 0 : i32
      %dma_wait3A_61 = tpu.memref_slice %arg11[%dma_wait3A] : memref<128xi32, #tpu.memory_space<vmem>> -> memref<8xi32, #tpu.memory_space<vmem>>
      %dma_wait3A_62 = arith.constant 0 : i32
      %dma_wait3A_63 = arith.constant 0 : i32
      %dma_wait3A_64 = arith.constant 0 : i32
      %dma_wait3A_65 = tpu.memref_slice %arg3[%dma_wait3A_62, %dma_wait3A_63, %dma_wait3A_64] : memref<2048x16x256xf32, #tpu.memory_space<hbm>> -> memref<2048x16x256xf32, #tpu.memory_space<hbm>>
      tpu.wait_indirect_dma semaphore(%arg14 : memref<!tpu.dma_semaphore, #tpu.memory_space<semaphore_mem>>) src(%dma_wait3A_65 : memref<2048x16x256xf32, #tpu.memory_space<hbm>>) dst(%arg12 : memref<8x16x256xf32, #tpu.memory_space<vmem>>)
      %mul3A_66 = arith.constant 8 : i32
      %mul3A_67 = arith.muli %mul3A_51, %mul3A_66 : i32
      %add3A_68 = arith.addi %mul3A_2, %mul3A_67 : i32
      "tpu.region"() ({
        %run_scoped3A = tpu.sem_alloc : memref<!tpu.dma_semaphore, #tpu.memory_space<semaphore_mem>>
        %dma_start3A_82 = arith.constant 0 : i32
        %dma_start3A_83 = arith.constant 0 : i32
        %dma_start3A_84 = tpu.memref_slice %arg7[%add3A_68, %dma_start3A_82, %dma_start3A_83] : memref<4096x16x256xf32, #tpu.memory_space<hbm>> -> memref<8x16x256xf32, #tpu.memory_space<hbm>>
        %dma_start3A_85 = arith.constant 0 : i32
        %dma_start3A_86 = arith.constant 0 : i32
        %dma_start3A_87 = tpu.memref_slice %arg7[%add3A_68, %dma_start3A_85, %dma_start3A_86] : memref<4096x16x256xf32, #tpu.memory_space<hbm>> -> memref<8x16x256xf32, #tpu.memory_space<hbm>>
        tpu.enqueue_dma source(%arg12 : memref<8x16x256xf32, #tpu.memory_space<vmem>>) target(%dma_start3A_87 : memref<8x16x256xf32, #tpu.memory_space<hbm>>) target_semaphore(%run_scoped3A : memref<!tpu.dma_semaphore, #tpu.memory_space<semaphore_mem>>)
        %dma_wait3A_88 = arith.constant 0 : i32
        %dma_wait3A_89 = arith.constant 0 : i32
        %dma_wait3A_90 = tpu.memref_slice %arg7[%add3A_68, %dma_wait3A_88, %dma_wait3A_89] : memref<4096x16x256xf32, #tpu.memory_space<hbm>> -> memref<8x16x256xf32, #tpu.memory_space<hbm>>
        %dma_wait3A_91 = arith.constant 0 : i32
        %dma_wait3A_92 = arith.constant 0 : i32
        %dma_wait3A_93 = tpu.memref_slice %arg7[%add3A_68, %dma_wait3A_91, %dma_wait3A_92] : memref<4096x16x256xf32, #tpu.memory_space<hbm>> -> memref<8x16x256xf32, #tpu.memory_space<hbm>>
        tpu.wait_dma2 semaphore(%run_scoped3A : memref<!tpu.dma_semaphore, #tpu.memory_space<semaphore_mem>>) src(%arg12 : memref<8x16x256xf32, #tpu.memory_space<vmem>>) dst(%dma_wait3A_93 : memref<8x16x256xf32, #tpu.memory_space<hbm>>)
        tpu.yield
      }) : () -> ()
      %lt3A = arith.constant 7 : i32
      %lt3A_69 = arith.cmpi slt, %scan3A_49, %lt3A : i32
      %convert_element_type3A = arith.extui %lt3A_69 : i1 to i32
      %cond3A = arith.constant 0 : i32
      %cond3A_70 = arith.cmpi ne, %convert_element_type3A, %cond3A : i32
      scf.if %cond3A_70 {
        %add3A_82 = arith.constant 2 : i32
        %add3A_83 = arith.addi %mul3A_51, %add3A_82 : i32
        %mul3A_84 = arith.constant 8 : i32
        %mul3A_85 = arith.muli %add3A_83, %mul3A_84 : i32
        %dma_start3A_86 = tpu.memref_slice %arg11[%mul3A_85] : memref<128xi32, #tpu.memory_space<vmem>> -> memref<8xi32, #tpu.memory_space<vmem>>
        %dma_start3A_87 = arith.constant 0 : i32
        %dma_start3A_88 = arith.constant 0 : i32
        %dma_start3A_89 = arith.constant 0 : i32
        %dma_start3A_90 = tpu.memref_slice %arg3[%dma_start3A_87, %dma_start3A_88, %dma_start3A_89] : memref<2048x16x256xf32, #tpu.memory_space<hbm>> -> memref<2048x16x256xf32, #tpu.memory_space<hbm>>
        tpu.enqueue_indirect_dma source(%dma_start3A_90 : memref<2048x16x256xf32, #tpu.memory_space<hbm>>) target(%arg12 : memref<8x16x256xf32, #tpu.memory_space<vmem>>) offsets(%dma_start3A_86 : memref<8xi32, #tpu.memory_space<vmem>>) semaphore(%arg14 : memref<!tpu.dma_semaphore, #tpu.memory_space<semaphore_mem>>)
      } else {
      }
      %dma_wait3A_71 = arith.constant 0 : i32
      %dma_wait3A_72 = tpu.memref_slice %arg11[%dma_wait3A_71] : memref<128xi32, #tpu.memory_space<vmem>> -> memref<8xi32, #tpu.memory_space<vmem>>
      %dma_wait3A_73 = arith.constant 0 : i32
      %dma_wait3A_74 = arith.constant 0 : i32
      %dma_wait3A_75 = arith.constant 0 : i32
      %dma_wait3A_76 = tpu.memref_slice %arg3[%dma_wait3A_73, %dma_wait3A_74, %dma_wait3A_75] : memref<2048x16x256xf32, #tpu.memory_space<hbm>> -> memref<2048x16x256xf32, #tpu.memory_space<hbm>>
      tpu.wait_indirect_dma semaphore(%arg15 : memref<!tpu.dma_semaphore, #tpu.memory_space<semaphore_mem>>) src(%dma_wait3A_76 : memref<2048x16x256xf32, #tpu.memory_space<hbm>>) dst(%arg13 : memref<8x16x256xf32, #tpu.memory_space<vmem>>)
      %add3A_77 = arith.constant 1 : i32
      %add3A_78 = arith.addi %mul3A_51, %add3A_77 : i32
      %mul3A_79 = arith.constant 8 : i32
      %mul3A_80 = arith.muli %add3A_78, %mul3A_79 : i32
      %add3A_81 = arith.addi %mul3A_2, %mul3A_80 : i32
      "tpu.region"() ({
        %run_scoped3A = tpu.sem_alloc : memref<!tpu.dma_semaphore, #tpu.memory_space<semaphore_mem>>
        %dma_start3A_82 = arith.constant 0 : i32
        %dma_start3A_83 = arith.constant 0 : i32
        %dma_start3A_84 = tpu.memref_slice %arg7[%add3A_81, %dma_start3A_82, %dma_start3A_83] : memref<4096x16x256xf32, #tpu.memory_space<hbm>> -> memref<8x16x256xf32, #tpu.memory_space<hbm>>
        %dma_start3A_85 = arith.constant 0 : i32
        %dma_start3A_86 = arith.constant 0 : i32
        %dma_start3A_87 = tpu.memref_slice %arg7[%add3A_81, %dma_start3A_85, %dma_start3A_86] : memref<4096x16x256xf32, #tpu.memory_space<hbm>> -> memref<8x16x256xf32, #tpu.memory_space<hbm>>
        tpu.enqueue_dma source(%arg13 : memref<8x16x256xf32, #tpu.memory_space<vmem>>) target(%dma_start3A_87 : memref<8x16x256xf32, #tpu.memory_space<hbm>>) target_semaphore(%run_scoped3A : memref<!tpu.dma_semaphore, #tpu.memory_space<semaphore_mem>>)
        %dma_wait3A_88 = arith.constant 0 : i32
        %dma_wait3A_89 = arith.constant 0 : i32
        %dma_wait3A_90 = tpu.memref_slice %arg7[%add3A_81, %dma_wait3A_88, %dma_wait3A_89] : memref<4096x16x256xf32, #tpu.memory_space<hbm>> -> memref<8x16x256xf32, #tpu.memory_space<hbm>>
        %dma_wait3A_91 = arith.constant 0 : i32
        %dma_wait3A_92 = arith.constant 0 : i32
        %dma_wait3A_93 = tpu.memref_slice %arg7[%add3A_81, %dma_wait3A_91, %dma_wait3A_92] : memref<4096x16x256xf32, #tpu.memory_space<hbm>> -> memref<8x16x256xf32, #tpu.memory_space<hbm>>
        tpu.wait_dma2 semaphore(%run_scoped3A : memref<!tpu.dma_semaphore, #tpu.memory_space<semaphore_mem>>) src(%arg13 : memref<8x16x256xf32, #tpu.memory_space<vmem>>) dst(%dma_wait3A_93 : memref<8x16x256xf32, #tpu.memory_space<hbm>>)
        tpu.yield
      }) : () -> ()
    }
    %scan3A_12 = arith.constant 8 : i32
    %dma_start3A_13 = arith.constant 0 : i32
    %dma_start3A_14 = tpu.memref_slice %arg11[%dma_start3A_13] : memref<128xi32, #tpu.memory_space<vmem>> -> memref<8xi32, #tpu.memory_space<vmem>>
    %dma_start3A_15 = arith.constant 0 : i32
    %dma_start3A_16 = arith.constant 0 : i32
    %dma_start3A_17 = arith.constant 0 : i32
    %dma_start3A_18 = tpu.memref_slice %arg4[%dma_start3A_15, %dma_start3A_16, %dma_start3A_17] : memref<2048x16x256xf32, #tpu.memory_space<hbm>> -> memref<2048x16x256xf32, #tpu.memory_space<hbm>>
    tpu.enqueue_indirect_dma source(%dma_start3A_18 : memref<2048x16x256xf32, #tpu.memory_space<hbm>>) target(%arg12 : memref<8x16x256xf32, #tpu.memory_space<vmem>>) offsets(%dma_start3A_14 : memref<8xi32, #tpu.memory_space<vmem>>) semaphore(%arg14 : memref<!tpu.dma_semaphore, #tpu.memory_space<semaphore_mem>>)
    %scan3A_19 = arith.constant 0 : i32
    %scan3A_20 = arith.constant 0 : i32
    %scan3A_21 = arith.constant 8 : i32
    %scan3A_22 = arith.addi %scan3A_20, %scan3A_21 : i32
    %scan3A_23 = arith.constant 1 : i32
    scf.for %scan3A_49 = %scan3A_20 to %scan3A_22 step %scan3A_23  : i32 {
      %mul3A_50 = arith.constant 2 : i32
      %mul3A_51 = arith.muli %mul3A_50, %scan3A_49 : i32
      %add3A_52 = arith.constant 1 : i32
      %add3A_53 = arith.addi %mul3A_51, %add3A_52 : i32
      %mul3A_54 = arith.constant 8 : i32
      %mul3A_55 = arith.muli %add3A_53, %mul3A_54 : i32
      %dma_start3A_56 = tpu.memref_slice %arg11[%mul3A_55] : memref<128xi32, #tpu.memory_space<vmem>> -> memref<8xi32, #tpu.memory_space<vmem>>
      %dma_start3A_57 = arith.constant 0 : i32
      %dma_start3A_58 = arith.constant 0 : i32
      %dma_start3A_59 = arith.constant 0 : i32
      %dma_start3A_60 = tpu.memref_slice %arg4[%dma_start3A_57, %dma_start3A_58, %dma_start3A_59] : memref<2048x16x256xf32, #tpu.memory_space<hbm>> -> memref<2048x16x256xf32, #tpu.memory_space<hbm>>
      tpu.enqueue_indirect_dma source(%dma_start3A_60 : memref<2048x16x256xf32, #tpu.memory_space<hbm>>) target(%arg13 : memref<8x16x256xf32, #tpu.memory_space<vmem>>) offsets(%dma_start3A_56 : memref<8xi32, #tpu.memory_space<vmem>>) semaphore(%arg15 : memref<!tpu.dma_semaphore, #tpu.memory_space<semaphore_mem>>)
      %dma_wait3A = arith.constant 0 : i32
      %dma_wait3A_61 = tpu.memref_slice %arg11[%dma_wait3A] : memref<128xi32, #tpu.memory_space<vmem>> -> memref<8xi32, #tpu.memory_space<vmem>>
      %dma_wait3A_62 = arith.constant 0 : i32
      %dma_wait3A_63 = arith.constant 0 : i32
      %dma_wait3A_64 = arith.constant 0 : i32
      %dma_wait3A_65 = tpu.memref_slice %arg4[%dma_wait3A_62, %dma_wait3A_63, %dma_wait3A_64] : memref<2048x16x256xf32, #tpu.memory_space<hbm>> -> memref<2048x16x256xf32, #tpu.memory_space<hbm>>
      tpu.wait_indirect_dma semaphore(%arg14 : memref<!tpu.dma_semaphore, #tpu.memory_space<semaphore_mem>>) src(%dma_wait3A_65 : memref<2048x16x256xf32, #tpu.memory_space<hbm>>) dst(%arg12 : memref<8x16x256xf32, #tpu.memory_space<vmem>>)
      %mul3A_66 = arith.constant 8 : i32
      %mul3A_67 = arith.muli %mul3A_51, %mul3A_66 : i32
      %add3A_68 = arith.addi %mul3A_2, %mul3A_67 : i32
      "tpu.region"() ({
        %run_scoped3A = tpu.sem_alloc : memref<!tpu.dma_semaphore, #tpu.memory_space<semaphore_mem>>
        %dma_start3A_82 = arith.constant 0 : i32
        %dma_start3A_83 = arith.constant 0 : i32
        %dma_start3A_84 = tpu.memref_slice %arg8[%add3A_68, %dma_start3A_82, %dma_start3A_83] : memref<4096x16x256xf32, #tpu.memory_space<hbm>> -> memref<8x16x256xf32, #tpu.memory_space<hbm>>
        %dma_start3A_85 = arith.constant 0 : i32
        %dma_start3A_86 = arith.constant 0 : i32
        %dma_start3A_87 = tpu.memref_slice %arg8[%add3A_68, %dma_start3A_85, %dma_start3A_86] : memref<4096x16x256xf32, #tpu.memory_space<hbm>> -> memref<8x16x256xf32, #tpu.memory_space<hbm>>
        tpu.enqueue_dma source(%arg12 : memref<8x16x256xf32, #tpu.memory_space<vmem>>) target(%dma_start3A_87 : memref<8x16x256xf32, #tpu.memory_space<hbm>>) target_semaphore(%run_scoped3A : memref<!tpu.dma_semaphore, #tpu.memory_space<semaphore_mem>>)
        %dma_wait3A_88 = arith.constant 0 : i32
        %dma_wait3A_89 = arith.constant 0 : i32
        %dma_wait3A_90 = tpu.memref_slice %arg8[%add3A_68, %dma_wait3A_88, %dma_wait3A_89] : memref<4096x16x256xf32, #tpu.memory_space<hbm>> -> memref<8x16x256xf32, #tpu.memory_space<hbm>>
        %dma_wait3A_91 = arith.constant 0 : i32
        %dma_wait3A_92 = arith.constant 0 : i32
        %dma_wait3A_93 = tpu.memref_slice %arg8[%add3A_68, %dma_wait3A_91, %dma_wait3A_92] : memref<4096x16x256xf32, #tpu.memory_space<hbm>> -> memref<8x16x256xf32, #tpu.memory_space<hbm>>
        tpu.wait_dma2 semaphore(%run_scoped3A : memref<!tpu.dma_semaphore, #tpu.memory_space<semaphore_mem>>) src(%arg12 : memref<8x16x256xf32, #tpu.memory_space<vmem>>) dst(%dma_wait3A_93 : memref<8x16x256xf32, #tpu.memory_space<hbm>>)
        tpu.yield
      }) : () -> ()
      %lt3A = arith.constant 7 : i32
      %lt3A_69 = arith.cmpi slt, %scan3A_49, %lt3A : i32
      %convert_element_type3A = arith.extui %lt3A_69 : i1 to i32
      %cond3A = arith.constant 0 : i32
      %cond3A_70 = arith.cmpi ne, %convert_element_type3A, %cond3A : i32
      scf.if %cond3A_70 {
        %add3A_82 = arith.constant 2 : i32
        %add3A_83 = arith.addi %mul3A_51, %add3A_82 : i32
        %mul3A_84 = arith.constant 8 : i32
        %mul3A_85 = arith.muli %add3A_83, %mul3A_84 : i32
        %dma_start3A_86 = tpu.memref_slice %arg11[%mul3A_85] : memref<128xi32, #tpu.memory_space<vmem>> -> memref<8xi32, #tpu.memory_space<vmem>>
        %dma_start3A_87 = arith.constant 0 : i32
        %dma_start3A_88 = arith.constant 0 : i32
        %dma_start3A_89 = arith.constant 0 : i32
        %dma_start3A_90 = tpu.memref_slice %arg4[%dma_start3A_87, %dma_start3A_88, %dma_start3A_89] : memref<2048x16x256xf32, #tpu.memory_space<hbm>> -> memref<2048x16x256xf32, #tpu.memory_space<hbm>>
        tpu.enqueue_indirect_dma source(%dma_start3A_90 : memref<2048x16x256xf32, #tpu.memory_space<hbm>>) target(%arg12 : memref<8x16x256xf32, #tpu.memory_space<vmem>>) offsets(%dma_start3A_86 : memref<8xi32, #tpu.memory_space<vmem>>) semaphore(%arg14 : memref<!tpu.dma_semaphore, #tpu.memory_space<semaphore_mem>>)
      } else {
      }
      %dma_wait3A_71 = arith.constant 0 : i32
      %dma_wait3A_72 = tpu.memref_slice %arg11[%dma_wait3A_71] : memref<128xi32, #tpu.memory_space<vmem>> -> memref<8xi32, #tpu.memory_space<vmem>>
      %dma_wait3A_73 = arith.constant 0 : i32
      %dma_wait3A_74 = arith.constant 0 : i32
      %dma_wait3A_75 = arith.constant 0 : i32
      %dma_wait3A_76 = tpu.memref_slice %arg4[%dma_wait3A_73, %dma_wait3A_74, %dma_wait3A_75] : memref<2048x16x256xf32, #tpu.memory_space<hbm>> -> memref<2048x16x256xf32, #tpu.memory_space<hbm>>
      tpu.wait_indirect_dma semaphore(%arg15 : memref<!tpu.dma_semaphore, #tpu.memory_space<semaphore_mem>>) src(%dma_wait3A_76 : memref<2048x16x256xf32, #tpu.memory_space<hbm>>) dst(%arg13 : memref<8x16x256xf32, #tpu.memory_space<vmem>>)
      %add3A_77 = arith.constant 1 : i32
      %add3A_78 = arith.addi %mul3A_51, %add3A_77 : i32
      %mul3A_79 = arith.constant 8 : i32
      %mul3A_80 = arith.muli %add3A_78, %mul3A_79 : i32
      %add3A_81 = arith.addi %mul3A_2, %mul3A_80 : i32
      "tpu.region"() ({
        %run_scoped3A = tpu.sem_alloc : memref<!tpu.dma_semaphore, #tpu.memory_space<semaphore_mem>>
        %dma_start3A_82 = arith.constant 0 : i32
        %dma_start3A_83 = arith.constant 0 : i32
        %dma_start3A_84 = tpu.memref_slice %arg8[%add3A_81, %dma_start3A_82, %dma_start3A_83] : memref<4096x16x256xf32, #tpu.memory_space<hbm>> -> memref<8x16x256xf32, #tpu.memory_space<hbm>>
        %dma_start3A_85 = arith.constant 0 : i32
        %dma_start3A_86 = arith.constant 0 : i32
        %dma_start3A_87 = tpu.memref_slice %arg8[%add3A_81, %dma_start3A_85, %dma_start3A_86] : memref<4096x16x256xf32, #tpu.memory_space<hbm>> -> memref<8x16x256xf32, #tpu.memory_space<hbm>>
        tpu.enqueue_dma source(%arg13 : memref<8x16x256xf32, #tpu.memory_space<vmem>>) target(%dma_start3A_87 : memref<8x16x256xf32, #tpu.memory_space<hbm>>) target_semaphore(%run_scoped3A : memref<!tpu.dma_semaphore, #tpu.memory_space<semaphore_mem>>)
        %dma_wait3A_88 = arith.constant 0 : i32
        %dma_wait3A_89 = arith.constant 0 : i32
        %dma_wait3A_90 = tpu.memref_slice %arg8[%add3A_81, %dma_wait3A_88, %dma_wait3A_89] : memref<4096x16x256xf32, #tpu.memory_space<hbm>> -> memref<8x16x256xf32, #tpu.memory_space<hbm>>
        %dma_wait3A_91 = arith.constant 0 : i32
        %dma_wait3A_92 = arith.constant 0 : i32
        %dma_wait3A_93 = tpu.memref_slice %arg8[%add3A_81, %dma_wait3A_91, %dma_wait3A_92] : memref<4096x16x256xf32, #tpu.memory_space<hbm>> -> memref<8x16x256xf32, #tpu.memory_space<hbm>>
        tpu.wait_dma2 semaphore(%run_scoped3A : memref<!tpu.dma_semaphore, #tpu.memory_space<semaphore_mem>>) src(%arg13 : memref<8x16x256xf32, #tpu.memory_space<vmem>>) dst(%dma_wait3A_93 : memref<8x16x256xf32, #tpu.memory_space<hbm>>)
        tpu.yield
      }) : () -> ()
    }
    %scan3A_24 = arith.constant 8 : i32
    %dma_start3A_25 = arith.constant 0 : i32
    %dma_start3A_26 = tpu.memref_slice %arg11[%dma_start3A_25] : memref<128xi32, #tpu.memory_space<vmem>> -> memref<8xi32, #tpu.memory_space<vmem>>
    %dma_start3A_27 = arith.constant 0 : i32
    %dma_start3A_28 = arith.constant 0 : i32
    %dma_start3A_29 = arith.constant 0 : i32
    %dma_start3A_30 = tpu.memref_slice %arg5[%dma_start3A_27, %dma_start3A_28, %dma_start3A_29] : memref<2048x16x256xf32, #tpu.memory_space<hbm>> -> memref<2048x16x256xf32, #tpu.memory_space<hbm>>
    tpu.enqueue_indirect_dma source(%dma_start3A_30 : memref<2048x16x256xf32, #tpu.memory_space<hbm>>) target(%arg12 : memref<8x16x256xf32, #tpu.memory_space<vmem>>) offsets(%dma_start3A_26 : memref<8xi32, #tpu.memory_space<vmem>>) semaphore(%arg14 : memref<!tpu.dma_semaphore, #tpu.memory_space<semaphore_mem>>)
    %scan3A_31 = arith.constant 0 : i32
    %scan3A_32 = arith.constant 0 : i32
    %scan3A_33 = arith.constant 8 : i32
    %scan3A_34 = arith.addi %scan3A_32, %scan3A_33 : i32
    %scan3A_35 = arith.constant 1 : i32
    scf.for %scan3A_49 = %scan3A_32 to %scan3A_34 step %scan3A_35  : i32 {
      %mul3A_50 = arith.constant 2 : i32
      %mul3A_51 = arith.muli %mul3A_50, %scan3A_49 : i32
      %add3A_52 = arith.constant 1 : i32
      %add3A_53 = arith.addi %mul3A_51, %add3A_52 : i32
      %mul3A_54 = arith.constant 8 : i32
      %mul3A_55 = arith.muli %add3A_53, %mul3A_54 : i32
      %dma_start3A_56 = tpu.memref_slice %arg11[%mul3A_55] : memref<128xi32, #tpu.memory_space<vmem>> -> memref<8xi32, #tpu.memory_space<vmem>>
      %dma_start3A_57 = arith.constant 0 : i32
      %dma_start3A_58 = arith.constant 0 : i32
      %dma_start3A_59 = arith.constant 0 : i32
      %dma_start3A_60 = tpu.memref_slice %arg5[%dma_start3A_57, %dma_start3A_58, %dma_start3A_59] : memref<2048x16x256xf32, #tpu.memory_space<hbm>> -> memref<2048x16x256xf32, #tpu.memory_space<hbm>>
      tpu.enqueue_indirect_dma source(%dma_start3A_60 : memref<2048x16x256xf32, #tpu.memory_space<hbm>>) target(%arg13 : memref<8x16x256xf32, #tpu.memory_space<vmem>>) offsets(%dma_start3A_56 : memref<8xi32, #tpu.memory_space<vmem>>) semaphore(%arg15 : memref<!tpu.dma_semaphore, #tpu.memory_space<semaphore_mem>>)
      %dma_wait3A = arith.constant 0 : i32
      %dma_wait3A_61 = tpu.memref_slice %arg11[%dma_wait3A] : memref<128xi32, #tpu.memory_space<vmem>> -> memref<8xi32, #tpu.memory_space<vmem>>
      %dma_wait3A_62 = arith.constant 0 : i32
      %dma_wait3A_63 = arith.constant 0 : i32
      %dma_wait3A_64 = arith.constant 0 : i32
      %dma_wait3A_65 = tpu.memref_slice %arg5[%dma_wait3A_62, %dma_wait3A_63, %dma_wait3A_64] : memref<2048x16x256xf32, #tpu.memory_space<hbm>> -> memref<2048x16x256xf32, #tpu.memory_space<hbm>>
      tpu.wait_indirect_dma semaphore(%arg14 : memref<!tpu.dma_semaphore, #tpu.memory_space<semaphore_mem>>) src(%dma_wait3A_65 : memref<2048x16x256xf32, #tpu.memory_space<hbm>>) dst(%arg12 : memref<8x16x256xf32, #tpu.memory_space<vmem>>)
      %mul3A_66 = arith.constant 8 : i32
      %mul3A_67 = arith.muli %mul3A_51, %mul3A_66 : i32
      %add3A_68 = arith.addi %mul3A_2, %mul3A_67 : i32
      "tpu.region"() ({
        %run_scoped3A = tpu.sem_alloc : memref<!tpu.dma_semaphore, #tpu.memory_space<semaphore_mem>>
        %dma_start3A_82 = arith.constant 0 : i32
        %dma_start3A_83 = arith.constant 0 : i32
        %dma_start3A_84 = tpu.memref_slice %arg9[%add3A_68, %dma_start3A_82, %dma_start3A_83] : memref<4096x16x256xf32, #tpu.memory_space<hbm>> -> memref<8x16x256xf32, #tpu.memory_space<hbm>>
        %dma_start3A_85 = arith.constant 0 : i32
        %dma_start3A_86 = arith.constant 0 : i32
        %dma_start3A_87 = tpu.memref_slice %arg9[%add3A_68, %dma_start3A_85, %dma_start3A_86] : memref<4096x16x256xf32, #tpu.memory_space<hbm>> -> memref<8x16x256xf32, #tpu.memory_space<hbm>>
        tpu.enqueue_dma source(%arg12 : memref<8x16x256xf32, #tpu.memory_space<vmem>>) target(%dma_start3A_87 : memref<8x16x256xf32, #tpu.memory_space<hbm>>) target_semaphore(%run_scoped3A : memref<!tpu.dma_semaphore, #tpu.memory_space<semaphore_mem>>)
        %dma_wait3A_88 = arith.constant 0 : i32
        %dma_wait3A_89 = arith.constant 0 : i32
        %dma_wait3A_90 = tpu.memref_slice %arg9[%add3A_68, %dma_wait3A_88, %dma_wait3A_89] : memref<4096x16x256xf32, #tpu.memory_space<hbm>> -> memref<8x16x256xf32, #tpu.memory_space<hbm>>
        %dma_wait3A_91 = arith.constant 0 : i32
        %dma_wait3A_92 = arith.constant 0 : i32
        %dma_wait3A_93 = tpu.memref_slice %arg9[%add3A_68, %dma_wait3A_91, %dma_wait3A_92] : memref<4096x16x256xf32, #tpu.memory_space<hbm>> -> memref<8x16x256xf32, #tpu.memory_space<hbm>>
        tpu.wait_dma2 semaphore(%run_scoped3A : memref<!tpu.dma_semaphore, #tpu.memory_space<semaphore_mem>>) src(%arg12 : memref<8x16x256xf32, #tpu.memory_space<vmem>>) dst(%dma_wait3A_93 : memref<8x16x256xf32, #tpu.memory_space<hbm>>)
        tpu.yield
      }) : () -> ()
      %lt3A = arith.constant 7 : i32
      %lt3A_69 = arith.cmpi slt, %scan3A_49, %lt3A : i32
      %convert_element_type3A = arith.extui %lt3A_69 : i1 to i32
      %cond3A = arith.constant 0 : i32
      %cond3A_70 = arith.cmpi ne, %convert_element_type3A, %cond3A : i32
      scf.if %cond3A_70 {
        %add3A_82 = arith.constant 2 : i32
        %add3A_83 = arith.addi %mul3A_51, %add3A_82 : i32
        %mul3A_84 = arith.constant 8 : i32
        %mul3A_85 = arith.muli %add3A_83, %mul3A_84 : i32
        %dma_start3A_86 = tpu.memref_slice %arg11[%mul3A_85] : memref<128xi32, #tpu.memory_space<vmem>> -> memref<8xi32, #tpu.memory_space<vmem>>
        %dma_start3A_87 = arith.constant 0 : i32
        %dma_start3A_88 = arith.constant 0 : i32
        %dma_start3A_89 = arith.constant 0 : i32
        %dma_start3A_90 = tpu.memref_slice %arg5[%dma_start3A_87, %dma_start3A_88, %dma_start3A_89] : memref<2048x16x256xf32, #tpu.memory_space<hbm>> -> memref<2048x16x256xf32, #tpu.memory_space<hbm>>
        tpu.enqueue_indirect_dma source(%dma_start3A_90 : memref<2048x16x256xf32, #tpu.memory_space<hbm>>) target(%arg12 : memref<8x16x256xf32, #tpu.memory_space<vmem>>) offsets(%dma_start3A_86 : memref<8xi32, #tpu.memory_space<vmem>>) semaphore(%arg14 : memref<!tpu.dma_semaphore, #tpu.memory_space<semaphore_mem>>)
      } else {
      }
      %dma_wait3A_71 = arith.constant 0 : i32
      %dma_wait3A_72 = tpu.memref_slice %arg11[%dma_wait3A_71] : memref<128xi32, #tpu.memory_space<vmem>> -> memref<8xi32, #tpu.memory_space<vmem>>
      %dma_wait3A_73 = arith.constant 0 : i32
      %dma_wait3A_74 = arith.constant 0 : i32
      %dma_wait3A_75 = arith.constant 0 : i32
      %dma_wait3A_76 = tpu.memref_slice %arg5[%dma_wait3A_73, %dma_wait3A_74, %dma_wait3A_75] : memref<2048x16x256xf32, #tpu.memory_space<hbm>> -> memref<2048x16x256xf32, #tpu.memory_space<hbm>>
      tpu.wait_indirect_dma semaphore(%arg15 : memref<!tpu.dma_semaphore, #tpu.memory_space<semaphore_mem>>) src(%dma_wait3A_76 : memref<2048x16x256xf32, #tpu.memory_space<hbm>>) dst(%arg13 : memref<8x16x256xf32, #tpu.memory_space<vmem>>)
      %add3A_77 = arith.constant 1 : i32
      %add3A_78 = arith.addi %mul3A_51, %add3A_77 : i32
      %mul3A_79 = arith.constant 8 : i32
      %mul3A_80 = arith.muli %add3A_78, %mul3A_79 : i32
      %add3A_81 = arith.addi %mul3A_2, %mul3A_80 : i32
      "tpu.region"() ({
        %run_scoped3A = tpu.sem_alloc : memref<!tpu.dma_semaphore, #tpu.memory_space<semaphore_mem>>
        %dma_start3A_82 = arith.constant 0 : i32
        %dma_start3A_83 = arith.constant 0 : i32
        %dma_start3A_84 = tpu.memref_slice %arg9[%add3A_81, %dma_start3A_82, %dma_start3A_83] : memref<4096x16x256xf32, #tpu.memory_space<hbm>> -> memref<8x16x256xf32, #tpu.memory_space<hbm>>
        %dma_start3A_85 = arith.constant 0 : i32
        %dma_start3A_86 = arith.constant 0 : i32
        %dma_start3A_87 = tpu.memref_slice %arg9[%add3A_81, %dma_start3A_85, %dma_start3A_86] : memref<4096x16x256xf32, #tpu.memory_space<hbm>> -> memref<8x16x256xf32, #tpu.memory_space<hbm>>
        tpu.enqueue_dma source(%arg13 : memref<8x16x256xf32, #tpu.memory_space<vmem>>) target(%dma_start3A_87 : memref<8x16x256xf32, #tpu.memory_space<hbm>>) target_semaphore(%run_scoped3A : memref<!tpu.dma_semaphore, #tpu.memory_space<semaphore_mem>>)
        %dma_wait3A_88 = arith.constant 0 : i32
        %dma_wait3A_89 = arith.constant 0 : i32
        %dma_wait3A_90 = tpu.memref_slice %arg9[%add3A_81, %dma_wait3A_88, %dma_wait3A_89] : memref<4096x16x256xf32, #tpu.memory_space<hbm>> -> memref<8x16x256xf32, #tpu.memory_space<hbm>>
        %dma_wait3A_91 = arith.constant 0 : i32
        %dma_wait3A_92 = arith.constant 0 : i32
        %dma_wait3A_93 = tpu.memref_slice %arg9[%add3A_81, %dma_wait3A_91, %dma_wait3A_92] : memref<4096x16x256xf32, #tpu.memory_space<hbm>> -> memref<8x16x256xf32, #tpu.memory_space<hbm>>
        tpu.wait_dma2 semaphore(%run_scoped3A : memref<!tpu.dma_semaphore, #tpu.memory_space<semaphore_mem>>) src(%arg13 : memref<8x16x256xf32, #tpu.memory_space<vmem>>) dst(%dma_wait3A_93 : memref<8x16x256xf32, #tpu.memory_space<hbm>>)
        tpu.yield
      }) : () -> ()
    }
    %scan3A_36 = arith.constant 8 : i32
    %dma_start3A_37 = arith.constant 0 : i32
    %dma_start3A_38 = tpu.memref_slice %arg11[%dma_start3A_37] : memref<128xi32, #tpu.memory_space<vmem>> -> memref<8xi32, #tpu.memory_space<vmem>>
    %dma_start3A_39 = arith.constant 0 : i32
    %dma_start3A_40 = arith.constant 0 : i32
    %dma_start3A_41 = arith.constant 0 : i32
    %dma_start3A_42 = tpu.memref_slice %arg6[%dma_start3A_39, %dma_start3A_40, %dma_start3A_41] : memref<2048x16x256xf32, #tpu.memory_space<hbm>> -> memref<2048x16x256xf32, #tpu.memory_space<hbm>>
    tpu.enqueue_indirect_dma source(%dma_start3A_42 : memref<2048x16x256xf32, #tpu.memory_space<hbm>>) target(%arg12 : memref<8x16x256xf32, #tpu.memory_space<vmem>>) offsets(%dma_start3A_38 : memref<8xi32, #tpu.memory_space<vmem>>) semaphore(%arg14 : memref<!tpu.dma_semaphore, #tpu.memory_space<semaphore_mem>>)
    %scan3A_43 = arith.constant 0 : i32
    %scan3A_44 = arith.constant 0 : i32
    %scan3A_45 = arith.constant 8 : i32
    %scan3A_46 = arith.addi %scan3A_44, %scan3A_45 : i32
    %scan3A_47 = arith.constant 1 : i32
    scf.for %scan3A_49 = %scan3A_44 to %scan3A_46 step %scan3A_47  : i32 {
      %mul3A_50 = arith.constant 2 : i32
      %mul3A_51 = arith.muli %mul3A_50, %scan3A_49 : i32
      %add3A_52 = arith.constant 1 : i32
      %add3A_53 = arith.addi %mul3A_51, %add3A_52 : i32
      %mul3A_54 = arith.constant 8 : i32
      %mul3A_55 = arith.muli %add3A_53, %mul3A_54 : i32
      %dma_start3A_56 = tpu.memref_slice %arg11[%mul3A_55] : memref<128xi32, #tpu.memory_space<vmem>> -> memref<8xi32, #tpu.memory_space<vmem>>
      %dma_start3A_57 = arith.constant 0 : i32
      %dma_start3A_58 = arith.constant 0 : i32
      %dma_start3A_59 = arith.constant 0 : i32
      %dma_start3A_60 = tpu.memref_slice %arg6[%dma_start3A_57, %dma_start3A_58, %dma_start3A_59] : memref<2048x16x256xf32, #tpu.memory_space<hbm>> -> memref<2048x16x256xf32, #tpu.memory_space<hbm>>
      tpu.enqueue_indirect_dma source(%dma_start3A_60 : memref<2048x16x256xf32, #tpu.memory_space<hbm>>) target(%arg13 : memref<8x16x256xf32, #tpu.memory_space<vmem>>) offsets(%dma_start3A_56 : memref<8xi32, #tpu.memory_space<vmem>>) semaphore(%arg15 : memref<!tpu.dma_semaphore, #tpu.memory_space<semaphore_mem>>)
      %dma_wait3A = arith.constant 0 : i32
      %dma_wait3A_61 = tpu.memref_slice %arg11[%dma_wait3A] : memref<128xi32, #tpu.memory_space<vmem>> -> memref<8xi32, #tpu.memory_space<vmem>>
      %dma_wait3A_62 = arith.constant 0 : i32
      %dma_wait3A_63 = arith.constant 0 : i32
      %dma_wait3A_64 = arith.constant 0 : i32
      %dma_wait3A_65 = tpu.memref_slice %arg6[%dma_wait3A_62, %dma_wait3A_63, %dma_wait3A_64] : memref<2048x16x256xf32, #tpu.memory_space<hbm>> -> memref<2048x16x256xf32, #tpu.memory_space<hbm>>
      tpu.wait_indirect_dma semaphore(%arg14 : memref<!tpu.dma_semaphore, #tpu.memory_space<semaphore_mem>>) src(%dma_wait3A_65 : memref<2048x16x256xf32, #tpu.memory_space<hbm>>) dst(%arg12 : memref<8x16x256xf32, #tpu.memory_space<vmem>>)
      %mul3A_66 = arith.constant 8 : i32
      %mul3A_67 = arith.muli %mul3A_51, %mul3A_66 : i32
      %add3A_68 = arith.addi %mul3A_2, %mul3A_67 : i32
      "tpu.region"() ({
        %run_scoped3A = tpu.sem_alloc : memref<!tpu.dma_semaphore, #tpu.memory_space<semaphore_mem>>
        %dma_start3A_82 = arith.constant 0 : i32
        %dma_start3A_83 = arith.constant 0 : i32
        %dma_start3A_84 = tpu.memref_slice %arg10[%add3A_68, %dma_start3A_82, %dma_start3A_83] : memref<4096x16x256xf32, #tpu.memory_space<hbm>> -> memref<8x16x256xf32, #tpu.memory_space<hbm>>
        %dma_start3A_85 = arith.constant 0 : i32
        %dma_start3A_86 = arith.constant 0 : i32
        %dma_start3A_87 = tpu.memref_slice %arg10[%add3A_68, %dma_start3A_85, %dma_start3A_86] : memref<4096x16x256xf32, #tpu.memory_space<hbm>> -> memref<8x16x256xf32, #tpu.memory_space<hbm>>
        tpu.enqueue_dma source(%arg12 : memref<8x16x256xf32, #tpu.memory_space<vmem>>) target(%dma_start3A_87 : memref<8x16x256xf32, #tpu.memory_space<hbm>>) target_semaphore(%run_scoped3A : memref<!tpu.dma_semaphore, #tpu.memory_space<semaphore_mem>>)
        %dma_wait3A_88 = arith.constant 0 : i32
        %dma_wait3A_89 = arith.constant 0 : i32
        %dma_wait3A_90 = tpu.memref_slice %arg10[%add3A_68, %dma_wait3A_88, %dma_wait3A_89] : memref<4096x16x256xf32, #tpu.memory_space<hbm>> -> memref<8x16x256xf32, #tpu.memory_space<hbm>>
        %dma_wait3A_91 = arith.constant 0 : i32
        %dma_wait3A_92 = arith.constant 0 : i32
        %dma_wait3A_93 = tpu.memref_slice %arg10[%add3A_68, %dma_wait3A_91, %dma_wait3A_92] : memref<4096x16x256xf32, #tpu.memory_space<hbm>> -> memref<8x16x256xf32, #tpu.memory_space<hbm>>
        tpu.wait_dma2 semaphore(%run_scoped3A : memref<!tpu.dma_semaphore, #tpu.memory_space<semaphore_mem>>) src(%arg12 : memref<8x16x256xf32, #tpu.memory_space<vmem>>) dst(%dma_wait3A_93 : memref<8x16x256xf32, #tpu.memory_space<hbm>>)
        tpu.yield
      }) : () -> ()
      %lt3A = arith.constant 7 : i32
      %lt3A_69 = arith.cmpi slt, %scan3A_49, %lt3A : i32
      %convert_element_type3A = arith.extui %lt3A_69 : i1 to i32
      %cond3A = arith.constant 0 : i32
      %cond3A_70 = arith.cmpi ne, %convert_element_type3A, %cond3A : i32
      scf.if %cond3A_70 {
        %add3A_82 = arith.constant 2 : i32
        %add3A_83 = arith.addi %mul3A_51, %add3A_82 : i32
        %mul3A_84 = arith.constant 8 : i32
        %mul3A_85 = arith.muli %add3A_83, %mul3A_84 : i32
        %dma_start3A_86 = tpu.memref_slice %arg11[%mul3A_85] : memref<128xi32, #tpu.memory_space<vmem>> -> memref<8xi32, #tpu.memory_space<vmem>>
        %dma_start3A_87 = arith.constant 0 : i32
        %dma_start3A_88 = arith.constant 0 : i32
        %dma_start3A_89 = arith.constant 0 : i32
        %dma_start3A_90 = tpu.memref_slice %arg6[%dma_start3A_87, %dma_start3A_88, %dma_start3A_89] : memref<2048x16x256xf32, #tpu.memory_space<hbm>> -> memref<2048x16x256xf32, #tpu.memory_space<hbm>>
        tpu.enqueue_indirect_dma source(%dma_start3A_90 : memref<2048x16x256xf32, #tpu.memory_space<hbm>>) target(%arg12 : memref<8x16x256xf32, #tpu.memory_space<vmem>>) offsets(%dma_start3A_86 : memref<8xi32, #tpu.memory_space<vmem>>) semaphore(%arg14 : memref<!tpu.dma_semaphore, #tpu.memory_space<semaphore_mem>>)
      } else {
      }
      %dma_wait3A_71 = arith.constant 0 : i32
      %dma_wait3A_72 = tpu.memref_slice %arg11[%dma_wait3A_71] : memref<128xi32, #tpu.memory_space<vmem>> -> memref<8xi32, #tpu.memory_space<vmem>>
      %dma_wait3A_73 = arith.constant 0 : i32
      %dma_wait3A_74 = arith.constant 0 : i32
      %dma_wait3A_75 = arith.constant 0 : i32
      %dma_wait3A_76 = tpu.memref_slice %arg6[%dma_wait3A_73, %dma_wait3A_74, %dma_wait3A_75] : memref<2048x16x256xf32, #tpu.memory_space<hbm>> -> memref<2048x16x256xf32, #tpu.memory_space<hbm>>
      tpu.wait_indirect_dma semaphore(%arg15 : memref<!tpu.dma_semaphore, #tpu.memory_space<semaphore_mem>>) src(%dma_wait3A_76 : memref<2048x16x256xf32, #tpu.memory_space<hbm>>) dst(%arg13 : memref<8x16x256xf32, #tpu.memory_space<vmem>>)
      %add3A_77 = arith.constant 1 : i32
      %add3A_78 = arith.addi %mul3A_51, %add3A_77 : i32
      %mul3A_79 = arith.constant 8 : i32
      %mul3A_80 = arith.muli %add3A_78, %mul3A_79 : i32
      %add3A_81 = arith.addi %mul3A_2, %mul3A_80 : i32
      "tpu.region"() ({
        %run_scoped3A = tpu.sem_alloc : memref<!tpu.dma_semaphore, #tpu.memory_space<semaphore_mem>>
        %dma_start3A_82 = arith.constant 0 : i32
        %dma_start3A_83 = arith.constant 0 : i32
        %dma_start3A_84 = tpu.memref_slice %arg10[%add3A_81, %dma_start3A_82, %dma_start3A_83] : memref<4096x16x256xf32, #tpu.memory_space<hbm>> -> memref<8x16x256xf32, #tpu.memory_space<hbm>>
        %dma_start3A_85 = arith.constant 0 : i32
        %dma_start3A_86 = arith.constant 0 : i32
        %dma_start3A_87 = tpu.memref_slice %arg10[%add3A_81, %dma_start3A_85, %dma_start3A_86] : memref<4096x16x256xf32, #tpu.memory_space<hbm>> -> memref<8x16x256xf32, #tpu.memory_space<hbm>>
        tpu.enqueue_dma source(%arg13 : memref<8x16x256xf32, #tpu.memory_space<vmem>>) target(%dma_start3A_87 : memref<8x16x256xf32, #tpu.memory_space<hbm>>) target_semaphore(%run_scoped3A : memref<!tpu.dma_semaphore, #tpu.memory_space<semaphore_mem>>)
        %dma_wait3A_88 = arith.constant 0 : i32
        %dma_wait3A_89 = arith.constant 0 : i32
        %dma_wait3A_90 = tpu.memref_slice %arg10[%add3A_81, %dma_wait3A_88, %dma_wait3A_89] : memref<4096x16x256xf32, #tpu.memory_space<hbm>> -> memref<8x16x256xf32, #tpu.memory_space<hbm>>
        %dma_wait3A_91 = arith.constant 0 : i32
        %dma_wait3A_92 = arith.constant 0 : i32
        %dma_wait3A_93 = tpu.memref_slice %arg10[%add3A_81, %dma_wait3A_91, %dma_wait3A_92] : memref<4096x16x256xf32, #tpu.memory_space<hbm>> -> memref<8x16x256xf32, #tpu.memory_space<hbm>>
        tpu.wait_dma2 semaphore(%run_scoped3A : memref<!tpu.dma_semaphore, #tpu.memory_space<semaphore_mem>>) src(%arg13 : memref<8x16x256xf32, #tpu.memory_space<vmem>>) dst(%dma_wait3A_93 : memref<8x16x256xf32, #tpu.memory_space<hbm>>)
        tpu.yield
      }) : () -> ()
    }
    %scan3A_48 = arith.constant 8 : i32
    return
  }
}

</mosaic_0001>

<sc_bundles>
// kernel: kernel.3.cloned.1.call-start
scs
__scs_entry_jumppad:
0x0: {  	(pc) =	sbr.rel $0x88, $3  }
0x1: {  	(tag) =	ssettag $0x0;
	lr =	simm.s32 $0x1  }
0x2: {  	[smem:$0x3F9C] =	sst lr;
	_ =	strace $0xD0000000  }
0x3: {  	_ = 	snop  }
0x4: {  	_ = 	snop  }
0x5: {  	_ = 	snop  }
0x6: {  	_ = 	snop  }
0x7: {  	_ = 	snop  }
__scs_overlays_trampoline_lowered:
0x8: {  	[smem:$0x3FAB] =	sst s0  }
0x9: {  	[smem:$0x3FAC] =	sst s1  }
0xa: {  	[smem:$0x3FAD] =	sst s2  }
0xb: {  	[smem:$0x3FAE] =	sst s3  }
0xc: {  	[smem:$0x3FAF] =	sst s4  }
0xd: {  	[smem:$0x3FB0] =	sst s5  }
0xe: {  	[smem:$0x3FB1] =	sst s6  }
0xf: {  	[smem:$0x3FB2] =	sst s7  }
0x10: {  	[smem:$0x3FB3] =	sst s8  }
0x11: {  	[smem:$0x3FB4] =	sst s9;
	s0 =	simm.s32 @!p0 $0x0  }
0x12: {  	s1 =	sld [smem:$0x3F9A];
	s0 =	simm.s32 @p0 $0x1  }
0x13: {  	[smem:$0x3FB5] =	sst s0;
	s0 =	simm.s32 @!p1 $0x0  }
0x14: {  	s2 =	sld [smem:$0x3F99];
	s0 =	simm.s32 @p1 $0x1  }
0x15: {  	[smem:$0x3FB6] =	sst s0;
	s0 =	simm.s32 @!p2 $0x0  }
0x16: {  	s3 =	sld [smem:$0x3FDB];
	s0 =	simm.s32 @p2 $0x1  }
0x17: {  	s4 =	simm.s32 $0x1BF5;
	[smem:$0x3FB8] =	sst s0  }
0x18: {  	s0 =	sld [smem:$0x3F9B];
	_ =	swait.ge [sflag:s4], $0x0  }
0x19: {  	s7 =	sld [smem:$0x3F9C]  }
0x1a: {  	s8 =	sadd.s32 $0xFFFFE003, lr  }
0x1b: {  	s9 =	sadd.s32 $0xFFFFFEF7, lr;
	s5 =	simm.s32 $0xFFFFFFFF;
	p2 =	slt.u32 s8, $0xFFFFF086  }
0x1c: {  	p1 =	slt.u32 s9, $0xF7A;
	s5 =	simm.s32 @!p2 $0x0  }
0x1d: {  	s5 =	simm.s32 @p1 $0x1;
	p0 =	seq.s32 s7, s2  }
0x1e: {  	s7 =	smul.u32 @!p0 $0xF7A, s2;
	p2 =	seq.s32 @!p0 s5, $0x0  }
0x1f: {  	s9 =	smul.u32 $0xF7A, s1;
	s8 =	simm.s32 @!p0 $0x1BF5;
	p2 =	por !p2, p0  }
0x20: {  	[sflag:s8] =	ssyncset.s32 @!p0 $0xFFFFF086;
	s6 =	sadd.s32 @!p0 s3, s7;
	s7 =	simm.s32 @!p0 $0x108  }
0x21: {  	s3 =	sadd.s32 s3, s9;
	s6 =	sadd.s32 @!p0 $0x88, s6;
	s7 =	simm.s32 @p2 $0x1082  }
0x22: {  	[simem:s7], [sflag:s8] =	dma.local @!p0 [hbm:s6], $0xF7A  }
0x23: {  	s9 =	sor.u32 $0xD0000000, s2;
	s6 =	simm.s32 $0x108;
	_ =	swait.ge @!p0 [sflag:s8], $0x0  }
0x24: {  	s3 =	sadd.s32 $0x88, s3;
	s6 =	simm.s32 @!p1 $0x1082;
	[sflag:s4] =	ssyncset.s32 $0xFFFFF086  }
0x25: {  	[simem:s6], [sflag:s4] =	dma.local [hbm:s3], $0xF7A  }
0x26: {  	[smem:$0x3F9C] =	sst s1;
	(tag) =	ssettag s2;
	_ =	strace s9  }
0x27: {  	s1 =	sld [smem:$0x3FAC]  }
0x28: {  	s2 =	sld [smem:$0x3FAD]  }
0x29: {  	s4 =	sld [smem:$0x3FAF]  }
0x2a: {  	p0 =	seq.s32 s5, $0x0;
	s5 =	sld [smem:$0x3FB0]  }
0x2b: {  	s6 =	sld [smem:$0x3FB1]  }
0x2c: {  	s7 =	sld [smem:$0x3FB2]  }
0x2d: {  	s3 =	simm.s32 $0x108;
	s8 =	sld [smem:$0x3FB3]  }
0x2e: {  	s3 =	simm.s32 @!p0 $0x1082;
	s9 =	sld [smem:$0x3FB4]  }
0x2f: {  	lr =	sadd.s32 s0, s3;
	s0 =	sld [smem:$0x3FAB]  }
0x30: {  	s3 =	sld [smem:$0x3FAE]  }
0x31: {  	[smem:$0x3FB7] =	sst s10  }
0x32: {  	s10 =	sld [smem:$0x3FB5];
	_ =	sdelay $0x3  }
0x33: {  	p0 =	seq.s32 s10, $0x1;
	s10 =	sld [smem:$0x3FB7];
	_ =	sdelay $0x3  }
0x34: {  	[smem:$0x3FB7] =	sst s10  }
0x35: {  	s10 =	sld [smem:$0x3FB6];
	_ =	sdelay $0x3  }
0x36: {  	p1 =	seq.s32 s10, $0x1;
	s10 =	sld [smem:$0x3FB7];
	_ =	sdelay $0x3  }
0x37: {  	[smem:$0x3FB7] =	sst s10  }
0x38: {  	s10 =	sld [smem:$0x3FB8]  }
0x39: {  	_ = 	snop;
	(pc) =	sbr.ind lr, $3  }
0x3a: {  	_ = 	snop  }
0x3b: {  	_ = 	snop  }
0x3c: {  	p2 =	seq.s32 s10, $0x1;
	s10 =	sld [smem:$0x3FB7]  }
0x3d: {  	_ =	shalt  }
0x3e: {  	_ =	shalt  }
0x3f: {  	_ =	shalt  }
0x40: {  	_ =	shalt  }
0x41: {  	_ =	shalt  }
0x42: {  	_ =	shalt  }
0x43: {  	_ =	shalt  }
0x44: {  	_ =	shalt  }
0x45: {  	_ =	shalt  }
0x46: {  	_ =	shalt  }
0x47: {  	_ =	shalt  }
0x48: {  	_ =	shalt  }
0x49: {  	_ =	shalt  }
0x4a: {  	_ =	shalt  }
0x4b: {  	_ =	shalt  }
0x4c: {  	_ =	shalt  }
0x4d: {  	_ =	shalt  }
0x4e: {  	_ =	shalt  }
0x4f: {  	_ =	shalt  }
0x50: {  	_ =	shalt  }
0x51: {  	_ =	shalt  }
0x52: {  	_ =	shalt  }
0x53: {  	_ =	shalt  }
0x54: {  	_ =	shalt  }
0x55: {  	_ =	shalt  }
0x56: {  	_ =	shalt  }
0x57: {  	_ =	shalt  }
0x58: {  	_ =	shalt  }
0x59: {  	_ =	shalt  }
0x5a: {  	_ =	shalt  }
0x5b: {  	_ =	shalt  }
0x5c: {  	_ =	shalt  }
0x5d: {  	_ =	shalt  }
0x5e: {  	_ =	shalt  }
0x5f: {  	_ =	shalt  }
0x60: {  	_ =	shalt  }
0x61: {  	_ =	shalt  }
0x62: {  	_ =	shalt  }
0x63: {  	_ =	shalt  }
0x64: {  	_ =	shalt  }
0x65: {  	_ =	shalt  }
0x66: {  	_ =	shalt  }
0x67: {  	_ =	shalt  }
0x68: {  	_ =	shalt  }
0x69: {  	_ =	shalt  }
0x6a: {  	_ =	shalt  }
0x6b: {  	_ =	shalt  }
0x6c: {  	_ =	shalt  }
0x6d: {  	_ =	shalt  }
0x6e: {  	_ =	shalt  }
0x6f: {  	_ =	shalt  }
0x70: {  	_ =	shalt  }
0x71: {  	_ =	shalt  }
0x72: {  	_ =	shalt  }
0x73: {  	_ =	shalt  }
0x74: {  	_ =	shalt  }
0x75: {  	_ =	shalt  }
0x76: {  	_ =	shalt  }
0x77: {  	_ =	shalt  }
0x78: {  	_ =	shalt  }
0x79: {  	_ =	shalt  }
0x7a: {  	_ =	shalt  }
0x7b: {  	_ =	shalt  }
0x7c: {  	_ =	shalt  }
0x7d: {  	_ =	shalt  }
0x7e: {  	_ =	shalt  }
0x7f: {  	_ =	shalt  }
0x80: {  	_ =	shalt  }
0x81: {  	_ =	shalt  }
0x82: {  	_ =	shalt  }
0x83: {  	_ =	shalt  }
0x84: {  	_ =	shalt  }
0x85: {  	_ =	shalt  }
0x86: {  	_ =	shalt  }
0x87: {  	_ =	shalt  }
.Lfunc_end0:
.L_simem_size_0:
called_computation_lowered:
.L_overlay_start_0:
0x88: {  	s2 =	sld [smem:$0x3FD9]  }
0x89: {  	s3 =	sld [smem:$0x3FFE];
	_ =	sdelay $0x1  }
0x8a: {  	s1 =	srdreg.scid  }
0x8b: {  	s0 =	sand.u32 $0x1, s1  }
0x8c: {  	s14 =	sshll.u32 s0, $0xA;
	s2 =	sadd.s32 s3, s2  }
0x8d: {  	s2 =	sadd.s32 s2, s14  }
0x8e: {  	[smem:$0x3FC3] =	sst s2  }
0x8f: {  	_ = 	snop  }
0x90: {  	s2 =	sld [smem:$0x3FC8]  }
0x91: {  	s15 =	sld [smem:$0x3FD0]  }
0x92: {  	s4 =	sld [smem:$0x3FC7]  }
0x93: {  	s5 =	sld [smem:$0x3FC6]  }
0x94: {  	s7 =	simm.s32 $0xA;
	s8 =	simm.s32 $0x10;
	s6 =	sld [smem:$0x3FC5]  }
0x95: {  	[smem:s8], [sflag:s7] =	dma.local [hbm:s15], $0x1  }
0x96: {  	_ =	swait.eq [sflag:s7], $0x1  }
0x97: {  	s16 =	sld [smem:$0x10]  }
0x98: {  	s17 =	sld [smem:$0x11];
	[sflag:s7] =	ssyncset.done $0x0  }
0x99: {  	s9 =	sld [smem:$0x12];
	[sflag:s7] =	ssyncadd.s32 $0xFFFFFFFF  }
0x9a: {  	s18 =	sld [smem:$0x13];
	(tm) =	ssettm $0x1  }
0x9b: {  	s10 =	sld [smem:$0x3FFB];
	_ =	sdelay $0x3  }
0x9c: {  	_ =	strace s10  }
0x9d: {  	s10 =	sld [smem:$0x3FFC];
	_ =	sdelay $0x3  }
0x9e: {  	_ =	strace s10  }
0x9f: {  	s10 =	sld [smem:$0x3FFD];
	_ =	sdelay $0x3  }
0xa0: {  	_ =	strace s10  }
0xa1: {  	_ =	strace $0x8FFFFFFF  }
0xa2: {  	s19 =	sld [smem:$0x3FDB];
	_ =	sdelay $0x1  }
0xa3: {  	s11 =	simm.s32 $_scs_section_size  }
0xa4: {  	s12 =	simm.s32 $_size__tile_overlayer_lowered;
	s13 =	simm.s32 $_tile_overlayer_lowered  }
0xa5: {  	s22 =	simm.s32 $0x1BFF;
	s21 =	sshll.u32 s13, $0x1;
	s10 =	sadd.s32 s11, s19  }
0xa6: {  	s20 =	sshll.u32 s12, $0x1;
	s14 =	simm.s32 $0x0;
	s12 =	sadd.s32 s21, s10  }
0xa7: {  	[timem:s14], [sflag:s22] =	dma.local [hbm:s12], s20  }
0xa8: {  	_ =	swait.ge [sflag:s22], s20  }
0xa9: {  	s11 =	ssub.s32 $0x0, s20;
	[sflag:s22] =	ssyncset.done $0x0  }
0xaa: {  	[sflag:s22] =	ssyncadd.s32 s11;
	_ =	sdelay $0x1  }
0xab: {  	s23 =	simm.s32 $0x1B8B  }
0xac: {  	_ =	swait.ge [sflag:s23], $0x1  }
0xad: {  	[sflag:s23] =	ssyncset.done $0x0  }
0xae: {  	s25 =	simm.s32 $0x1B8E;
	s24 =	sld [smem:$0x3FFE];
	[sflag:s23] =	ssyncadd.s32 $0xFFFFFFFF  }
0xaf: {  	s26 =	simm.s32 $execute0_lowered;
	[smem:$0x3FD2] =	sst s25  }
0xb0: {  	s12 =	sshll.u32 s26, $0x1;
	_ =	strace $0x80000046;
	[dreg:$0x1] =	wrdreg $0xFFFFFFFF  }
0xb1: {  	s28 =	simm.s32 $_size_execute0_lowered;
	s10 =	sadd.s32 s10, s12;
	[dreg:$0x0] =	wrdreg $0x0  }
0xb2: {  	s12 =	sshll.u32 s28, $0x1;
	[dreg:$0x2] =	wrdreg s10  }
0xb3: {  	[dreg:$0x3] =	wrdreg s12  }
0xb4: {  	[dreg:$0x4] =	wrdreg $0xC0  }
0xb5: {  	_ =	task [dreg:s14], $0x5FFFF  }
0xb6: {  	[dreg:$0x1] =	wrdreg $0xFFFFFFFF  }
0xb7: {  	[dreg:$0x0] =	wrdreg $0x60  }
0xb8: {  	[dreg:$0x2] =	wrdreg s24  }
0xb9: {  	[dreg:$0x3] =	wrdreg s2  }
0xba: {  	[dreg:$0x4] =	wrdreg s4  }
0xbb: {  	[dreg:$0x5] =	wrdreg s5  }
0xbc: {  	[dreg:$0x6] =	wrdreg s6  }
0xbd: {  	[dreg:$0x7] =	wrdreg s16  }
0xbe: {  	[dreg:$0x8] =	wrdreg s17  }
0xbf: {  	[dreg:$0x9] =	wrdreg s9  }
0xc0: {  	[dreg:$0xa] =	wrdreg s18  }
0xc1: {  	[dreg:$0xb] =	wrdreg $0x9  }
0xc2: {  	_ =	task.clear_ibuf [dreg:s14], $0xCFFFF;
	_ =	strace $0x90000046  }
0xc3: {  	s29 =	simm.s32 $0x9;
	_ =	strace $0x80000048  }
0xc4: {  	_ =	swait.ge [sflag:s29], $0x1  }
0xc5: {  	[sflag:s29] =	ssyncadd.s32 $0xFFFFFFFF  }
0xc6: {  	_ =	strace $0x90000048  }
0xc7: {  	_ =	sfence  }
0xc8: {  	s30 =	sld [smem:$0x0];
	_ =	sdelay $0x2  }
0xc9: {  	s31 =	sshll.u32 s1, $0xD;
	s1 =	sshrl.u32 s1, $0x2  }
0xca: {  	s3 =	sand.u32 $0x4000, s31;
	s1 =	sadd.s32 s1, s30  }
0xcb: {  	s0 =	sor.u32 s3, s0;
	s1 =	sshll.u32 s1, $0x11  }
0xcc: {  	s0 =	sor.u32 s1, s0  }
0xcd: {  	s0 =	sadd.s32 $0x8F2B, s0  }
0xce: {  	[sflag:s0] =	ssyncadd.remote.s32 $0x1  }
0xcf: {  	_ =	sfence.sel $0xFFFF  }
0xd0: {  	[dreg:$0x0] =	wrdreg $0xFFFFFFFF;
	(pc) =	sbr.abs _section_cstart, $3  }
0xd1: {  	[dreg:$0x1] =	wrdreg $0xFFFFFFFF  }
0xd2: {  	_ =	task.clear_ibuf [dreg:s14], $0x2FFFF;
	_ =	strace $0x9FFFFFFF  }
0xd3: {  	(tm) =	ssettm $0x7FFFFFFF  }
tec
execute0_lowered:
.L_overlay_start_1:
0x0: {  	(tag) =	ssettag $0x1  }
0x1: {  	s7 =	rddreg [dreg:$0x0]  }
0x2: {  	s0 =	rddreg [dreg:$0x1]  }
0x3: {  	s1 =	rddreg [dreg:$0x2]  }
0x4: {  	s2 =	rddreg [dreg:$0x3]  }
0x5: {  	s4 =	rddreg [dreg:$0x4]  }
0x6: {  	s8 =	rddreg [dreg:$0x5]  }
0x7: {  	s10 =	rddreg [dreg:$0x6]  }
0x8: {  	s11 =	rddreg [dreg:$0x7]  }
0x9: {  	s12 =	rddreg [dreg:$0x8];
	s6 =	srdreg.scid  }
0xa: {  	s3 =	rddreg [dreg:$0x9];
	s5 =	stileid.u32  }
0xb: {  	s17 =	simm.s32 $0x2;
	s18 =	simm.s32 $0x0;
	s9 =	sand.u32 $0x1, s6  }
0xc: {  	s6 =	simm.s32 $0x0;
	s13 =	sshll.u32 s5, $0x8;
	s15 =	sshll.u32 s5, $0x11  }
0xd: {  	s14 =	sshll.u32 s9, $0x7;
	[smem:$0x7FF] =	sst s6;
	s29 =	ssub.s32 $0x2, s9  }
0xe: {  	s31 =	sadd.s32 s15, s8;
	s16 =	sshll.u32 s9, $0x10;
	s10 =	sadd.s32 s15, s10  }
0xf: {  	s11 =	sadd.s32 s15, s11;
	s12 =	sadd.s32 s15, s12;
	s15 =	simm.s32 $0x8080  }
0x10: {  	s13 =	sor.u32 s14, s13;
	_ =	strace $0x80000047;
	s30 =	sshrl.u32 s29, $0x1  }
0x11: {  	s9 =	sadd.s32 s16, s31;
	s10 =	sadd.s32 s16, s10;
	s11 =	sadd.s32 s16, s11  }
0x12: {  	s12 =	sadd.s32 s16, s12;
	s14 =	simm.s32 $0x80;
	s13 =	sshrl.u32 s13, $0x3  }
0x13: {  	s16 =	simm.s32 $0x1;
	s7 =	sadd.s32 s13, s7;
	s13 =	ssub.s32 s29, s30  }
0x14: {  	vm0 =	vmmov $0xff;
	v0 =	vlaneseq.u32;
	s7 =	sadd.s32 $0x800, s7;
	s8 =	smax.u32 s13, $0x1;
	s13 =	simm.s32 $0x3  }
.LBB2_1:
0x15: {  	[tilespmem:s6], [sflag:$0x3] =	stream.linear.gather [hbm4b:s7+s6], $0x80, $0x38;
	[tilespmem:$0x10080] =	vst v63  }
0x16: {  	_ =	swait.ge [sflag:s13], $0x80  }
0x17: {  	[sflag:s13] =	ssyncset.done $0x0  }
0x18: {  	[sflag:s13] =	ssyncadd.s32 $0xFFFFFF80  }
0x19: {  	v1 =	vld.msk [tilespmem:$0x0], $0xff;
	_ =	sdelay $0x4  }
0x1a: {  	v1 =	vshll.u32 v1, $0xC  }
0x1b: {  	v1 =	vperm.xlane v1, v0;
	_ =	sdelay $0x4  }
0x1c: {  	s19 =	simm.s32 $0x10;
	s20 =	simm.s32 $0x0  }
0x1d: {  	[tilespmem:s14], [sflag:$0x1] =	stream.indirect_vreg.gather [hbm4b:s0+s6], $0x1000, v1, vm0, $0x38;
	[tilespmem:$0x10080] =	vst v63  }
.LBB2_2:
0x1e: {  	v1 =	vld.msk [tilespmem:s19+$0xFFFFFFF8], $0xff;
	_ =	sdelay $0x4  }
0x1f: {  	v1 =	vshll.u32 v1, $0xC  }
0x20: {  	v1 =	vperm.xlane v1, v0;
	_ =	sdelay $0x5  }
0x21: {  	[tilespmem:s15], [sflag:$0x2] =	stream.indirect_vreg.gather [hbm4b:s0+s6], $0x1000, v1, vm0, $0x38;
	[tilespmem:$0x10080] =	vst v63  }
0x22: {  	_ =	swait.ge [sflag:s16], $0x8000  }
0x23: {  	[sflag:s16] =	ssyncset.done $0x0  }
0x24: {  	s21 =	sadd.s32 s20, s9;
	[sflag:s16] =	ssyncadd.s32 $0xFFFF8000  }
0x25: {  	[hbm4b:s21+s6] =	stream.linear.scatter [tilespmem:s14], [sflag:$0x3], $0x8000, $0x38;
	[tilespmem:$0x10080] =	vst v63  }
0x26: {  	_ =	swait.ge [sflag:s13], $0x8000  }
0x27: {  	[sflag:s13] =	ssyncset.done $0x0  }
0x28: {  	p0 =	seq.s32 s20, $0xE000;
	[sflag:s13] =	ssyncadd.s32 $0xFFFF8000  }
0x29: {  	v1 =	vld.msk @!p0 [tilespmem:s19+$0x0], $0xff;
	_ =	sdelay $0x4  }
0x2a: {  	v2 =	vlaneseq.u32 @!p0;
	v1 =	vshll.u32 @!p0 v1, $0xC  }
0x2b: {  	v1 =	vperm.xlane @!p0 v1, v2;
	_ =	sdelay $0x4  }
0x2c: {  	vm1 =	vmmov @!p0 $0xff;
	s22 =	simm.s32 @!p0 $0x0;
	s23 =	simm.s32 @!p0 $0x80  }
0x2d: {  	[tilespmem:s23], [sflag:$0x1] =	stream.indirect_vreg.gather @!p0 [hbm4b:s0+s22], $0x1000, v1, vm1, $0x38;
	[tilespmem:$0x10080] =	vst v63  }
0x2e: {  	s20 =	sadd.s32 $0x2000, s20;
	_ =	swait.ge [sflag:s17], $0x8000  }
0x2f: {  	p0 =	sne.s32 s20, $0x10000;
	[sflag:s17] =	ssyncset.done $0x0  }
.Ltmp0:
0x30: {  	s21 =	sadd.s32 $0x1000, s21;
	[sflag:s17] =	ssyncadd.s32 $0xFFFF8000;
	(pc) =	sbr.rel @p0 .LBB2_2-.Ltmp0, $4  }
0x31: {  	[hbm4b:s21+s6] =	stream.linear.scatter [tilespmem:s15], [sflag:$0x3], $0x8000, $0x38;
	[tilespmem:$0x10080] =	vst v63  }
0x32: {  	_ =	swait.ge [sflag:s13], $0x8000  }
0x33: {  	[sflag:s13] =	ssyncset.done $0x0  }
0x34: {  	s19 =	sadd.s32 $0x10, s19;
	[sflag:s13] =	ssyncadd.s32 $0xFFFF8000  }
0x35: {  	v1 =	vld.msk [tilespmem:$0x0], $0xff;
	_ =	sdelay $0x4  }
0x36: {  	v1 =	vshll.u32 v1, $0xC  }
0x37: {  	v1 =	vperm.xlane v1, v0;
	_ =	sdelay $0x4  }
0x38: {  	s19 =	simm.s32 $0x0;
	s20 =	simm.s32 $0x10  }
0x39: {  	[tilespmem:s14], [sflag:$0x1] =	stream.indirect_vreg.gather [hbm4b:s1+s19], $0x1000, v1, vm0, $0x38;
	[tilespmem:$0x10080] =	vst v63  }
.LBB2_4:
0x3a: {  	v1 =	vld.msk [tilespmem:s20+$0xFFFFFFF8], $0xff;
	_ =	sdelay $0x4  }
0x3b: {  	v1 =	vshll.u32 v1, $0xC  }
0x3c: {  	v1 =	vperm.xlane v1, v0;
	_ =	sdelay $0x5  }
0x3d: {  	[tilespmem:s15], [sflag:$0x2] =	stream.indirect_vreg.gather [hbm4b:s1+s6], $0x1000, v1, vm0, $0x38;
	[tilespmem:$0x10080] =	vst v63  }
0x3e: {  	_ =	swait.ge [sflag:s16], $0x8000  }
0x3f: {  	[sflag:s16] =	ssyncset.done $0x0  }
0x40: {  	s21 =	sadd.s32 s19, s10;
	[sflag:s16] =	ssyncadd.s32 $0xFFFF8000  }
0x41: {  	[hbm4b:s21+s6] =	stream.linear.scatter [tilespmem:s14], [sflag:$0x3], $0x8000, $0x38;
	[tilespmem:$0x10080] =	vst v63  }
0x42: {  	_ =	swait.ge [sflag:s13], $0x8000  }
0x43: {  	[sflag:s13] =	ssyncset.done $0x0  }
0x44: {  	p0 =	seq.s32 s19, $0xE000;
	[sflag:s13] =	ssyncadd.s32 $0xFFFF8000  }
0x45: {  	v1 =	vld.msk @!p0 [tilespmem:s20+$0x0], $0xff;
	_ =	sdelay $0x4  }
0x46: {  	v2 =	vlaneseq.u32 @!p0;
	v1 =	vshll.u32 @!p0 v1, $0xC  }
0x47: {  	v1 =	vperm.xlane @!p0 v1, v2;
	_ =	sdelay $0x4  }
0x48: {  	vm1 =	vmmov @!p0 $0xff;
	s22 =	simm.s32 @!p0 $0x0;
	s23 =	simm.s32 @!p0 $0x80  }
0x49: {  	[tilespmem:s23], [sflag:$0x1] =	stream.indirect_vreg.gather @!p0 [hbm4b:s1+s22], $0x1000, v1, vm1, $0x38;
	[tilespmem:$0x10080] =	vst v63  }
0x4a: {  	s19 =	sadd.s32 $0x2000, s19;
	_ =	swait.ge [sflag:s17], $0x8000  }
0x4b: {  	p0 =	sne.s32 s19, $0x10000;
	[sflag:s17] =	ssyncset.done $0x0  }
.Ltmp1:
0x4c: {  	s21 =	sadd.s32 $0x1000, s21;
	[sflag:s17] =	ssyncadd.s32 $0xFFFF8000;
	(pc) =	sbr.rel @p0 .LBB2_4-.Ltmp1, $4  }
0x4d: {  	[hbm4b:s21+s6] =	stream.linear.scatter [tilespmem:s15], [sflag:$0x3], $0x8000, $0x38;
	[tilespmem:$0x10080] =	vst v63  }
0x4e: {  	_ =	swait.ge [sflag:s13], $0x8000  }
0x4f: {  	[sflag:s13] =	ssyncset.done $0x0  }
0x50: {  	s20 =	sadd.s32 $0x10, s20;
	[sflag:s13] =	ssyncadd.s32 $0xFFFF8000  }
0x51: {  	v1 =	vld.msk [tilespmem:$0x0], $0xff;
	_ =	sdelay $0x4  }
0x52: {  	v1 =	vshll.u32 v1, $0xC  }
0x53: {  	v1 =	vperm.xlane v1, v0;
	_ =	sdelay $0x4  }
0x54: {  	s19 =	simm.s32 $0x0;
	s20 =	simm.s32 $0x10  }
0x55: {  	[tilespmem:s14], [sflag:$0x1] =	stream.indirect_vreg.gather [hbm4b:s2+s19], $0x1000, v1, vm0, $0x38;
	[tilespmem:$0x10080] =	vst v63  }
.LBB2_6:
0x56: {  	v1 =	vld.msk [tilespmem:s20+$0xFFFFFFF8], $0xff;
	_ =	sdelay $0x4  }
0x57: {  	v1 =	vshll.u32 v1, $0xC  }
0x58: {  	v1 =	vperm.xlane v1, v0;
	_ =	sdelay $0x5  }
0x59: {  	[tilespmem:s15], [sflag:$0x2] =	stream.indirect_vreg.gather [hbm4b:s2+s6], $0x1000, v1, vm0, $0x38;
	[tilespmem:$0x10080] =	vst v63  }
0x5a: {  	_ =	swait.ge [sflag:s16], $0x8000  }
0x5b: {  	[sflag:s16] =	ssyncset.done $0x0  }
0x5c: {  	s21 =	sadd.s32 s19, s11;
	[sflag:s16] =	ssyncadd.s32 $0xFFFF8000  }
0x5d: {  	[hbm4b:s21+s6] =	stream.linear.scatter [tilespmem:s14], [sflag:$0x3], $0x8000, $0x38;
	[tilespmem:$0x10080] =	vst v63  }
0x5e: {  	_ =	swait.ge [sflag:s13], $0x8000  }
0x5f: {  	[sflag:s13] =	ssyncset.done $0x0  }
0x60: {  	p0 =	seq.s32 s19, $0xE000;
	[sflag:s13] =	ssyncadd.s32 $0xFFFF8000  }
0x61: {  	v1 =	vld.msk @!p0 [tilespmem:s20+$0x0], $0xff;
	_ =	sdelay $0x4  }
0x62: {  	v2 =	vlaneseq.u32 @!p0;
	v1 =	vshll.u32 @!p0 v1, $0xC  }
0x63: {  	v1 =	vperm.xlane @!p0 v1, v2;
	_ =	sdelay $0x4  }
0x64: {  	vm1 =	vmmov @!p0 $0xff;
	s22 =	simm.s32 @!p0 $0x0;
	s23 =	simm.s32 @!p0 $0x80  }
0x65: {  	[tilespmem:s23], [sflag:$0x1] =	stream.indirect_vreg.gather @!p0 [hbm4b:s2+s22], $0x1000, v1, vm1, $0x38;
	[tilespmem:$0x10080] =	vst v63  }
0x66: {  	s19 =	sadd.s32 $0x2000, s19;
	_ =	swait.ge [sflag:s17], $0x8000  }
0x67: {  	p0 =	sne.s32 s19, $0x10000;
	[sflag:s17] =	ssyncset.done $0x0  }
.Ltmp2:
0x68: {  	s21 =	sadd.s32 $0x1000, s21;
	[sflag:s17] =	ssyncadd.s32 $0xFFFF8000;
	(pc) =	sbr.rel @p0 .LBB2_6-.Ltmp2, $4  }
0x69: {  	[hbm4b:s21+s6] =	stream.linear.scatter [tilespmem:s15], [sflag:$0x3], $0x8000, $0x38;
	[tilespmem:$0x10080] =	vst v63  }
0x6a: {  	_ =	swait.ge [sflag:s13], $0x8000  }
0x6b: {  	[sflag:s13] =	ssyncset.done $0x0  }
0x6c: {  	s20 =	sadd.s32 $0x10, s20;
	[sflag:s13] =	ssyncadd.s32 $0xFFFF8000  }
0x6d: {  	v1 =	vld.msk [tilespmem:$0x0], $0xff;
	_ =	sdelay $0x4  }
0x6e: {  	v1 =	vshll.u32 v1, $0xC  }
0x6f: {  	v1 =	vperm.xlane v1, v0;
	_ =	sdelay $0x4  }
0x70: {  	s19 =	simm.s32 $0x0;
	s20 =	simm.s32 $0x10  }
0x71: {  	[tilespmem:s14], [sflag:$0x1] =	stream.indirect_vreg.gather [hbm4b:s4+s19], $0x1000, v1, vm0, $0x38;
	[tilespmem:$0x10080] =	vst v63  }
.LBB2_8:
0x72: {  	v1 =	vld.msk [tilespmem:s20+$0xFFFFFFF8], $0xff;
	_ =	sdelay $0x4  }
0x73: {  	v1 =	vshll.u32 v1, $0xC  }
0x74: {  	v1 =	vperm.xlane v1, v0;
	_ =	sdelay $0x5  }
0x75: {  	[tilespmem:s15], [sflag:$0x2] =	stream.indirect_vreg.gather [hbm4b:s4+s6], $0x1000, v1, vm0, $0x38;
	[tilespmem:$0x10080] =	vst v63  }
0x76: {  	_ =	swait.ge [sflag:s16], $0x8000  }
0x77: {  	[sflag:s16] =	ssyncset.done $0x0  }
0x78: {  	s21 =	sadd.s32 s19, s12;
	[sflag:s16] =	ssyncadd.s32 $0xFFFF8000  }
0x79: {  	[hbm4b:s21+s6] =	stream.linear.scatter [tilespmem:s14], [sflag:$0x3], $0x8000, $0x38;
	[tilespmem:$0x10080] =	vst v63  }
0x7a: {  	_ =	swait.ge [sflag:s13], $0x8000  }
0x7b: {  	[sflag:s13] =	ssyncset.done $0x0  }
0x7c: {  	p0 =	seq.s32 s19, $0xE000;
	[sflag:s13] =	ssyncadd.s32 $0xFFFF8000  }
0x7d: {  	v1 =	vld.msk @!p0 [tilespmem:s20+$0x0], $0xff;
	_ =	sdelay $0x4  }
0x7e: {  	v2 =	vlaneseq.u32 @!p0;
	v1 =	vshll.u32 @!p0 v1, $0xC  }
0x7f: {  	v1 =	vperm.xlane @!p0 v1, v2;
	_ =	sdelay $0x4  }
0x80: {  	vm1 =	vmmov @!p0 $0xff;
	s22 =	simm.s32 @!p0 $0x0;
	s23 =	simm.s32 @!p0 $0x80  }
0x81: {  	[tilespmem:s23], [sflag:$0x1] =	stream.indirect_vreg.gather @!p0 [hbm4b:s4+s22], $0x1000, v1, vm1, $0x38;
	[tilespmem:$0x10080] =	vst v63  }
0x82: {  	s19 =	sadd.s32 $0x2000, s19;
	_ =	swait.ge [sflag:s17], $0x8000  }
0x83: {  	p0 =	sne.s32 s19, $0x10000;
	[sflag:s17] =	ssyncset.done $0x0  }
.Ltmp3:
0x84: {  	s21 =	sadd.s32 $0x1000, s21;
	[sflag:s17] =	ssyncadd.s32 $0xFFFF8000;
	(pc) =	sbr.rel @p0 .LBB2_8-.Ltmp3, $4  }
0x85: {  	[hbm4b:s21+s6] =	stream.linear.scatter [tilespmem:s15], [sflag:$0x3], $0x8000, $0x38;
	[tilespmem:$0x10080] =	vst v63  }
0x86: {  	_ =	swait.ge [sflag:s13], $0x8000  }
0x87: {  	[sflag:s13] =	ssyncset.done $0x0  }
0x88: {  	s20 =	sadd.s32 $0x10, s20;
	[sflag:s13] =	ssyncadd.s32 $0xFFFF8000  }
0x89: {  	s18 =	sadd.s32 $0x1, s18  }
0x8a: {  	p0 =	sne.s32 s18, s8  }
.Ltmp4:
0x8b: {  	_ = 	snop;
	(pc) =	sbr.rel @p0 .LBB2_1-.Ltmp4, $1  }
0x8c: {  	_ =	sdelay $0x3  }
0x8d: {  	_ =	sfence.sel $0x180000  }
0x8e: {  	[bflag:$0x0] =	sbarrier.arrive $0xFFFF  }
0x8f: {  	p0 =	sne.s32 s5, $0x0;
	_ =	strace $0x90000047  }
0x90: {  	s0 =	sadd.s32 @!p0 $0x100000, s3;
	[bflag:$0x2] =	sbarrier.arrive $0xFFFF  }
0x91: {  	[sflag:s0] =	ssyncadd.tile.s32 @!p0 $0x1;
	_ =	shalt  }
.Lfunc_end2:
_tile_overlayer_lowered:
.L_overlay_start_2:
0x92: {  	(tag) =	ssettag $0x2  }
0x93: {  	s0 =	rddreg [dreg:$0x0];
	s2 =	stileid.u32  }
0x94: {  	s1 =	rddreg [dreg:$0x1];
	p0 =	sne.s32 s2, $0x0  }
0x95: {  	s3 =	rddreg [dreg:$0x2];
	[bflag:$0x3] =	sbarrier.arrive $0xFFFF;
	s2 =	simm.s32 @!p0 $0x1C03  }
0x96: {  	[timem:s3], [sflag:s2] =	dma.local @!p0 [hbm:s0], s1  }
0x97: {  	s0 =	simm.s32 @!p0 $0x3  }
0x98: {  	_ =	swait.ge @!p0 [sflag:s0], s1  }
0x99: {  	s1 =	ssub.s32 @!p0 $0x0, s1;
	[sflag:s0] =	ssyncset.done @!p0 $0x0  }
0x9a: {  	[sflag:s0] =	ssyncadd.s32 @!p0 s1  }
0x9b: {  	[bflag:$0x3] =	sbarrier.arrive $0xFFFF  }
0x9c: {  	_ =	shalt  }

</sc_bundles>
